<compile_context>
chip_gen: v7x
topology: tpu7x:2x2x1
jax: 0.10.2.dev20260603
libtpu: 0.0.44.dev20260713+nightly
codegen_flags: <defaults>
</compile_context>

<pallas_src>
import jax
import jax.numpy as jnp
from jax import lax
from jax.experimental import pallas as pl
from jax.experimental.pallas import tpu as pltpu
from jax.experimental.pallas import tpu_sc as plsc


def _sc_chase(src0, src1, src2):
    n_t = src2.shape[0]
    mesh = plsc.VectorSubcoreMesh(core_axis_name="c", subcore_axis_name="s")

    def body(src0_ref, src1_ref, src2_ref, out_ref, out2_ref,
             src2_v, m_v, eall_v, iall_v, sem):
        wid = lax.axis_index("s") * 2 + lax.axis_index("c")

        @pl.when(wid == 0)
        def _():
            pltpu.sync_copy(src2_ref, src2_v)
            pltpu.async_copy(src1_ref.at[src2_v], m_v, sem).wait()
            for v in range(n_t // 16):
                m = m_v[pl.ds(v * 16, 16)]
                eall_v[pl.ds(v * 16, 16)] = m * 2
                eall_v[pl.ds(n_t + v * 16, 16)] = m * 2 + 1
            pltpu.async_copy(src0_ref.at[eall_v], iall_v, sem).wait()
            pltpu.sync_copy(iall_v, out_ref)
            pltpu.sync_copy(iall_v, out2_ref.at[0])

    return pl.kernel(
        body,
        out_type=(jax.ShapeDtypeStruct((2 * n_t,), jnp.int32),
                  jax.ShapeDtypeStruct((1, 2 * n_t), jnp.int32)),
        mesh=mesh,
        scratch_types=[
            pltpu.VMEM((n_t,), jnp.int32),
            pltpu.VMEM((n_t,), jnp.int32),
            pltpu.VMEM((2 * n_t,), jnp.int32),
            pltpu.VMEM((2 * n_t,), jnp.int32),
            pltpu.SemaphoreType.DMA,
        ],
    )(src0, src1, src2)


def _fold_terms(v0_ref, g0_ref, b0_ref, v1_ref, g1_ref, b1_ref,
                v2_ref, g2_ref, b2_ref, vfc_ref, gfc_ref, bfc_ref, n_t):
    c2_out = v2_ref.shape[0]
    d_fc = vfc_ref.shape[1]

    if True:
        f32 = jnp.float32
        dn_t = (((1,), (1,)), ((), ()))
        dn_n = (((1,), (0,)), ((), ()))

        v0 = v0_ref[...]
        w0 = v0 * g0_ref[...] * lax.rsqrt(v0 * v0)
        v1v = v1_ref[...]
        w1 = v1v * (g1_ref[...] * lax.rsqrt(
            jnp.sum(v1v * v1v, axis=1, keepdims=True)))
        v2v = v2_ref[...]
        w2 = v2v * (g2_ref[...] * lax.rsqrt(
            jnp.sum(v2v * v2v, axis=1, keepdims=True)))
        vf = vfc_ref[...]
        wfc = vf * (gfc_ref[...] * lax.rsqrt(
            jnp.sum(vf * vf, axis=1, keepdims=True)))

        h1 = lax.dot_general(w0, w1, dn_t, preferred_element_type=f32)
        u = lax.dot_general(h1, w2, dn_t, preferred_element_type=f32)
        c1 = lax.dot_general(b0_ref[...], w1, dn_t,
                             preferred_element_type=f32) + b1_ref[...]
        c2 = lax.dot_general(c1, w2, dn_t,
                             preferred_element_type=f32) + b2_ref[...]

        ro = lax.broadcasted_iota(jnp.int32, (c2_out, d_fc), 0)
        ri = lax.broadcasted_iota(jnp.int32, (c2_out, d_fc), 1)
        r_sel = (ri // n_t == ro).astype(f32)
        to = lax.broadcasted_iota(jnp.int32, (n_t, d_fc), 0)
        ti = lax.broadcasted_iota(jnp.int32, (n_t, d_fc), 1)
        t_sel = (ti % n_t == to).astype(f32)

        u_exp = lax.dot_general(u, r_sel, dn_n, preferred_element_type=f32)
        c_exp = lax.dot_general(c2, r_sel, dn_n, preferred_element_type=f32)
        a_mat = lax.dot_general(wfc * u_exp, t_sel, dn_t,
                                preferred_element_type=f32)
        ones = jnp.ones((1, d_fc), f32)
        cvec = lax.dot_general(ones, wfc * c_exp, dn_t,
                               preferred_element_type=f32) + bfc_ref[...]
        return a_mat, cvec


def _tc_combine(x, iall, iall_row, v0r, g0r, b0r, v1, g1c, b1r,
                v2, g2c, b2r, vfc, gfcc, bfcr, n_cls):
    n_batch, n_in = x.shape
    n_g = iall.shape[0]
    n_t = n_g // 2
    n_full = (n_in // 128) * 128
    n_tail = n_in - n_full

    def body(x_ref, iall_ref, ialr_ref, v0_ref, g0_ref, b0_ref,
             v1_ref, g1_ref, b1_ref, v2_ref, g2_ref, b2_ref, vfc_ref,
             gfc_ref, bfc_ref, out_ref, xt_scr, xtail_scr, sem, tail_sem):
        f32 = jnp.float32
        dn_t = (((1,), (1,)), ((), ()))
        dn_n = (((1,), (0,)), ((), ()))

        copies = []
        for t in range(n_g):
            col = iall_ref[t]
            start = pl.multiple_of(
                jnp.minimum((col // 128) * 128, n_full - 128), 128)
            copies.append(pltpu.make_async_copy(
                x_ref.at[:, pl.ds(start, 128)],
                xt_scr.at[:, pl.ds(t * 128, 128)], sem))
        for c in copies:
            c.start()
        tail_copy = pltpu.make_async_copy(
            x_ref.at[:, pl.ds(n_full, n_tail)], xtail_scr, tail_sem)
        tail_copy.start()
        pltpu.make_async_copy(
            x_ref.at[:, pl.ds(0, n_g * 128)], xt_scr, sem).wait()
        tail_copy.wait()

        colv = ialr_ref[...]
        startv = jnp.minimum((colv // 128) * 128, n_full - 128)
        lanev = colv - startv
        tailv = colv - n_full
        ri = lax.broadcasted_iota(jnp.int32, (n_g * 128, n_g), 0)
        ti = lax.broadcasted_iota(jnp.int32, (n_g * 128, n_g), 1)
        sel_a = ((ri // 128 == ti) & (ri % 128 == lanev)).astype(f32)
        cols = lax.dot_general(xt_scr[...], sel_a, dn_n,
                               preferred_element_type=f32)
        li = lax.broadcasted_iota(jnp.int32, (n_tail, n_g), 0)
        sel_b = (li == tailv).astype(f32)
        cols = cols + lax.dot_general(xtail_scr[...], sel_b, dn_n,
                                      preferred_element_type=f32)
        gmat = cols[:, 0:n_t] + cols[:, n_t:2 * n_t]
        a_mat, cvec = _fold_terms(
            v0_ref, g0_ref, b0_ref, v1_ref, g1_ref, b1_ref,
            v2_ref, g2_ref, b2_ref, vfc_ref, gfc_ref, bfc_ref, n_t)
        out_ref[...] = lax.dot_general(
            gmat, a_mat, dn_t, preferred_element_type=f32) + cvec

    vmem = pl.BlockSpec(memory_space=pltpu.VMEM)
    return pl.pallas_call(
        body,
        in_specs=[pl.BlockSpec(memory_space=pl.ANY),
                  pl.BlockSpec(memory_space=pltpu.SMEM), vmem] + [vmem] * 12,
        out_specs=vmem,
        out_shape=jax.ShapeDtypeStruct((n_batch, n_cls), jnp.float32),
        scratch_shapes=[pltpu.VMEM((n_batch, n_g * 128), jnp.float32),
                        pltpu.VMEM((n_batch, n_tail), jnp.float32),
                        pltpu.SemaphoreType.DMA,
                        pltpu.SemaphoreType.DMA],
    )(x, iall, iall_row, v0r, g0r, b0r, v1, g1c, b1r, v2, g2c, b2r,
      vfc, gfcc, bfcr)


def _scs_probe(src2):
    n_t = src2.shape[0]
    mesh = plsc.ScalarSubcoreMesh(axis_name="c", num_cores=2)

    def body(src2_ref, out_ref, src2_s):
        cid = lax.axis_index("c")

        @pl.when(cid == 0)
        def _():
            pltpu.sync_copy(src2_ref, src2_s)

            def step(t, carry):
                src2_s[t] = src2_s[t] + 1
                return carry

            lax.fori_loop(0, n_t, step, 0)
            pltpu.sync_copy(src2_s, out_ref)

    return pl.kernel(
        body,
        out_type=jax.ShapeDtypeStruct((n_t,), jnp.int32),
        mesh=mesh,
        scratch_types=[pltpu.SMEM((n_t,), jnp.int32)],
    )(src2)


def kernel(x, src0, dst0, v0, g0, b0, src1, dst1, v1, g1, b1,
           src2, dst2, v2, g2, b2, v_fc, g_fc, b_fc):
    probe = _scs_probe(src2)
    return jnp.zeros((64, 20), jnp.float32) + probe[0]
    iall, iall_row = _sc_chase(src0, src1, src2)
    return _tc_combine(
        x, iall, iall_row,
        v0.reshape(1, -1), g0.reshape(1, -1), b0.reshape(1, -1),
        v1, g1.reshape(-1, 1), b1.reshape(1, -1),
        v2, g2.reshape(-1, 1), b2.reshape(1, -1),
        v_fc, g_fc.reshape(-1, 1), b_fc.reshape(1, -1),
        n_cls=v_fc.shape[0],
    )

# --- scband reference (transcript-rebuilt; emitter-appended) ---
"""Pipeline reference for scband-random-fglclassifier-30227979829341 (READ-ONLY COPY).

The authoritative reference and input builder live on the scoring server;
editing this copy changes nothing except your own understanding.
"""

import jax, jax.numpy as jnp
import numpy as np

NODE_SIZES = [200000, 1024, 256, 32]
CHANNELS = [1, 32, 64, 128]
DENSITIES = [1e-05, 0.001, 0.001]
N_BATCH = 64
N_CLASSES = 20


def _make_adj(rng, n_in, n_out, density):
    # random bipartite incoming adjacency: each output node gets k random in-neighbors
    k = max(1, int(round(density * n_in)))
    src = rng.integers(0, n_in, size=n_out * k).astype(np.int32)
    dst = np.repeat(np.arange(n_out, dtype=np.int32), k)
    return jnp.asarray(src), jnp.asarray(dst)


def setup_inputs(seed: int = 0):
    key = jax.random.key(seed)
    ks = jax.random.split(key, 16)
    rng = np.random.default_rng(0)
    inp = {}
    inp["x"] = jax.random.normal(ks[0], (N_BATCH, NODE_SIZES[0]), dtype=jnp.float32)
    for i in range(3):
        n_in, n_out = NODE_SIZES[i], NODE_SIZES[i + 1]
        c_in, c_out = CHANNELS[i], CHANNELS[i + 1]
        src, dst = _make_adj(rng, n_in, n_out, DENSITIES[i])
        inp[f"src{i}"] = src
        inp[f"dst{i}"] = dst
        inp[f"v{i}"] = jax.random.normal(ks[1 + 3 * i], (c_out, c_in), dtype=jnp.float32) * (1.0 / np.sqrt(c_in))
        inp[f"g{i}"] = jnp.ones((c_out,), dtype=jnp.float32)
        inp[f"b{i}"] = jnp.zeros((c_out,), dtype=jnp.float32)
    d_fc = NODE_SIZES[-1] * CHANNELS[-1]
    inp["v_fc"] = jax.random.normal(ks[10], (N_CLASSES, d_fc), dtype=jnp.float32) * (1.0 / np.sqrt(d_fc))
    inp["g_fc"] = jnp.ones((N_CLASSES,), dtype=jnp.float32)
    inp["b_fc"] = jnp.zeros((N_CLASSES,), dtype=jnp.float32)
    return inp


def _wn(v, g):
    # torch weight_norm with dim=0: per-output-row normalization
    return v * (g / jnp.linalg.norm(v.reshape(v.shape[0], -1), axis=1))[:, None]


def _fgl(z, src, dst, n_out, v, g, b):
    # z: [N, C_in, n_in] -> [N, C_out, n_out]
    gathered = z[:, :, src]                 # [N, C_in, E] gather
    gathered = jnp.moveaxis(gathered, 2, 0)  # [E, N, C_in]
    agg = jax.ops.segment_sum(gathered, dst, num_segments=n_out)  # [n_out, N, C_in]
    w = _wn(v, g)                            # [C_out, C_in]
    return jnp.einsum('jnc,oc->noj', agg, w) + b[None, :, None]


def reference(x, src0, dst0, v0, g0, b0, src1, dst1, v1, g1, b1, src2, dst2, v2, g2, b2, v_fc, g_fc, b_fc):
    N = x.shape[0]
    z = x[:, None, :]
    z = _fgl(z, src0, dst0, NODE_SIZES[1], v0, g0, b0)
    z = _fgl(z, src1, dst1, NODE_SIZES[2], v1, g1, b1)
    z = _fgl(z, src2, dst2, NODE_SIZES[3], v2, g2, b2)
    z = z.reshape(N, -1)
    w_fc = _wn(v_fc, g_fc)
    return z @ w_fc.T + b_fc

if __name__ == "__main__":
    import jax
    _d = setup_inputs()
    print(jax.jit(kernel)(*tuple(_d.values())))

</pallas_src>

<mosaic_0001>
#map = affine_map<(d0) -> (0)>
module attributes {stable_mosaic.version = 14 : i64} {
  func.func @body(%arg0: i32, %arg1: memref<32xi32, #tpu.memory_space<hbm>>, %arg2: memref<32xi32, #tpu.memory_space<hbm>>, %arg3: memref<32xi32, #tpu.memory_space<smem>>) attributes {dimension_semantics = [#tpu.dimension_semantics<core_parallel>], iteration_bounds = array<i64: 2>, scalar_prefetch = 0 : i64, scratch_operands = 1 : i64, tpu.core_type = #tpu.core_type<sc_scalar_subcore>, window_params = [{transform_indices = #map}, {transform_indices = #map}]} {
    %eq3A = arith.constant 0 : i32
    %eq3A_0 = arith.cmpi eq, %arg0, %eq3A : i32
    %convert_element_type3A = arith.extui %eq3A_0 : i1 to i32
    %cond3A = arith.constant 0 : i32
    %cond3A_1 = arith.cmpi ne, %convert_element_type3A, %cond3A : i32
    scf.if %cond3A_1 {
      "tpu.region"() ({
        %run_scoped3A = tpu.sem_alloc : memref<!tpu.dma_semaphore, #tpu.memory_space<semaphore_mem>>
        tpu.enqueue_dma source(%arg1 : memref<32xi32, #tpu.memory_space<hbm>>) target(%arg3 : memref<32xi32, #tpu.memory_space<smem>>) target_semaphore(%run_scoped3A : memref<!tpu.dma_semaphore, #tpu.memory_space<semaphore_mem>>)
        tpu.wait_dma2 semaphore(%run_scoped3A : memref<!tpu.dma_semaphore, #tpu.memory_space<semaphore_mem>>) src(%arg1 : memref<32xi32, #tpu.memory_space<hbm>>) dst(%arg3 : memref<32xi32, #tpu.memory_space<smem>>)
        tpu.yield
      }) : () -> ()
      %scan3A = arith.constant 0 : i32
      %scan3A_2 = arith.constant 0 : i32
      %scan3A_3 = arith.constant 32 : i32
      %scan3A_4 = arith.addi %scan3A_2, %scan3A_3 : i32
      %scan3A_5 = arith.constant 1 : i32
      scf.for %scan3A_7 = %scan3A_2 to %scan3A_4 step %scan3A_5  : i32 {
        %get3A = arith.index_cast %scan3A_7 : i32 to index
        %get3A_8 = memref.load %arg3[%get3A] : memref<32xi32, #tpu.memory_space<smem>>
        %add3A = arith.constant 1 : i32
        %add3A_9 = arith.addi %get3A_8, %add3A : i32
        %swap3A = arith.index_cast %scan3A_7 : i32 to index
        %swap3A_10 = memref.load %arg3[%swap3A] : memref<32xi32, #tpu.memory_space<smem>>
        memref.store %add3A_9, %arg3[%swap3A] : memref<32xi32, #tpu.memory_space<smem>>
      }
      %scan3A_6 = arith.constant 32 : i32
      "tpu.region"() ({
        %run_scoped3A = tpu.sem_alloc : memref<!tpu.dma_semaphore, #tpu.memory_space<semaphore_mem>>
        tpu.enqueue_dma source(%arg3 : memref<32xi32, #tpu.memory_space<smem>>) target(%arg2 : memref<32xi32, #tpu.memory_space<hbm>>) target_semaphore(%run_scoped3A : memref<!tpu.dma_semaphore, #tpu.memory_space<semaphore_mem>>)
        tpu.wait_dma2 semaphore(%run_scoped3A : memref<!tpu.dma_semaphore, #tpu.memory_space<semaphore_mem>>) src(%arg3 : memref<32xi32, #tpu.memory_space<smem>>) dst(%arg2 : memref<32xi32, #tpu.memory_space<hbm>>)
        tpu.yield
      }) : () -> ()
    } else {
    }
    return
  }
}

</mosaic_0001>

<sc_bundles>
// kernel: kernel.3.cloned.1.call-start
scs
__scs_entry_jumppad:
0x0: {  	(pc) =	sbr.rel $0x88, $3  }
0x1: {  	(tag) =	ssettag $0x0;
	lr =	simm.s32 $0x1  }
0x2: {  	[smem:$0x3FA0] =	sst lr;
	_ =	strace $0xD0000000  }
0x3: {  	_ = 	snop  }
0x4: {  	_ = 	snop  }
0x5: {  	_ = 	snop  }
0x6: {  	_ = 	snop  }
0x7: {  	_ = 	snop  }
__scs_overlays_trampoline_lowered:
0x8: {  	[smem:$0x3FAF] =	sst s0  }
0x9: {  	[smem:$0x3FB0] =	sst s1  }
0xa: {  	[smem:$0x3FB1] =	sst s2  }
0xb: {  	[smem:$0x3FB2] =	sst s3  }
0xc: {  	[smem:$0x3FB3] =	sst s4  }
0xd: {  	[smem:$0x3FB4] =	sst s5  }
0xe: {  	[smem:$0x3FB5] =	sst s6  }
0xf: {  	[smem:$0x3FB6] =	sst s7  }
0x10: {  	[smem:$0x3FB7] =	sst s8  }
0x11: {  	[smem:$0x3FB8] =	sst s9;
	s0 =	simm.s32 @!p0 $0x0  }
0x12: {  	s1 =	sld [smem:$0x3F9E];
	s0 =	simm.s32 @p0 $0x1  }
0x13: {  	[smem:$0x3FB9] =	sst s0;
	s0 =	simm.s32 @!p1 $0x0  }
0x14: {  	s2 =	sld [smem:$0x3F9D];
	s0 =	simm.s32 @p1 $0x1  }
0x15: {  	[smem:$0x3FBA] =	sst s0;
	s0 =	simm.s32 @!p2 $0x0  }
0x16: {  	s3 =	sld [smem:$0x3FDB];
	s0 =	simm.s32 @p2 $0x1  }
0x17: {  	s4 =	simm.s32 $0x1BF5;
	[smem:$0x3FBC] =	sst s0  }
0x18: {  	s0 =	sld [smem:$0x3F9F];
	_ =	swait.ge [sflag:s4], $0x0  }
0x19: {  	s7 =	sld [smem:$0x3FA0]  }
0x1a: {  	s8 =	sadd.s32 $0xFFFFE003, lr  }
0x1b: {  	s9 =	sadd.s32 $0xFFFFFEF7, lr;
	s5 =	simm.s32 $0xFFFFFFFF;
	p2 =	slt.u32 s8, $0xFFFFF086  }
0x1c: {  	p1 =	slt.u32 s9, $0xF7A;
	s5 =	simm.s32 @!p2 $0x0  }
0x1d: {  	s5 =	simm.s32 @p1 $0x1;
	p0 =	seq.s32 s7, s2  }
0x1e: {  	s7 =	smul.u32 @!p0 $0xF7A, s2;
	p2 =	seq.s32 @!p0 s5, $0x0  }
0x1f: {  	s9 =	smul.u32 $0xF7A, s1;
	s8 =	simm.s32 @!p0 $0x1BF5;
	p2 =	por !p2, p0  }
0x20: {  	[sflag:s8] =	ssyncset.s32 @!p0 $0xFFFFF086;
	s6 =	sadd.s32 @!p0 s3, s7;
	s7 =	simm.s32 @!p0 $0x108  }
0x21: {  	s3 =	sadd.s32 s3, s9;
	s6 =	sadd.s32 @!p0 $0x88, s6;
	s7 =	simm.s32 @p2 $0x1082  }
0x22: {  	[simem:s7], [sflag:s8] =	dma.local @!p0 [hbm:s6], $0xF7A  }
0x23: {  	s9 =	sor.u32 $0xD0000000, s2;
	s6 =	simm.s32 $0x108;
	_ =	swait.ge @!p0 [sflag:s8], $0x0  }
0x24: {  	s3 =	sadd.s32 $0x88, s3;
	s6 =	simm.s32 @!p1 $0x1082;
	[sflag:s4] =	ssyncset.s32 $0xFFFFF086  }
0x25: {  	[simem:s6], [sflag:s4] =	dma.local [hbm:s3], $0xF7A  }
0x26: {  	[smem:$0x3FA0] =	sst s1;
	(tag) =	ssettag s2;
	_ =	strace s9  }
0x27: {  	s1 =	sld [smem:$0x3FB0]  }
0x28: {  	s2 =	sld [smem:$0x3FB1]  }
0x29: {  	s4 =	sld [smem:$0x3FB3]  }
0x2a: {  	p0 =	seq.s32 s5, $0x0;
	s5 =	sld [smem:$0x3FB4]  }
0x2b: {  	s6 =	sld [smem:$0x3FB5]  }
0x2c: {  	s7 =	sld [smem:$0x3FB6]  }
0x2d: {  	s3 =	simm.s32 $0x108;
	s8 =	sld [smem:$0x3FB7]  }
0x2e: {  	s3 =	simm.s32 @!p0 $0x1082;
	s9 =	sld [smem:$0x3FB8]  }
0x2f: {  	lr =	sadd.s32 s0, s3;
	s0 =	sld [smem:$0x3FAF]  }
0x30: {  	s3 =	sld [smem:$0x3FB2]  }
0x31: {  	[smem:$0x3FBB] =	sst s10  }
0x32: {  	s10 =	sld [smem:$0x3FB9];
	_ =	sdelay $0x3  }
0x33: {  	p0 =	seq.s32 s10, $0x1;
	s10 =	sld [smem:$0x3FBB];
	_ =	sdelay $0x3  }
0x34: {  	[smem:$0x3FBB] =	sst s10  }
0x35: {  	s10 =	sld [smem:$0x3FBA];
	_ =	sdelay $0x3  }
0x36: {  	p1 =	seq.s32 s10, $0x1;
	s10 =	sld [smem:$0x3FBB];
	_ =	sdelay $0x3  }
0x37: {  	[smem:$0x3FBB] =	sst s10  }
0x38: {  	s10 =	sld [smem:$0x3FBC]  }
0x39: {  	_ = 	snop;
	(pc) =	sbr.ind lr, $3  }
0x3a: {  	_ = 	snop  }
0x3b: {  	_ = 	snop  }
0x3c: {  	p2 =	seq.s32 s10, $0x1;
	s10 =	sld [smem:$0x3FBB]  }
0x3d: {  	_ =	shalt  }
0x3e: {  	_ =	shalt  }
0x3f: {  	_ =	shalt  }
0x40: {  	_ =	shalt  }
0x41: {  	_ =	shalt  }
0x42: {  	_ =	shalt  }
0x43: {  	_ =	shalt  }
0x44: {  	_ =	shalt  }
0x45: {  	_ =	shalt  }
0x46: {  	_ =	shalt  }
0x47: {  	_ =	shalt  }
0x48: {  	_ =	shalt  }
0x49: {  	_ =	shalt  }
0x4a: {  	_ =	shalt  }
0x4b: {  	_ =	shalt  }
0x4c: {  	_ =	shalt  }
0x4d: {  	_ =	shalt  }
0x4e: {  	_ =	shalt  }
0x4f: {  	_ =	shalt  }
0x50: {  	_ =	shalt  }
0x51: {  	_ =	shalt  }
0x52: {  	_ =	shalt  }
0x53: {  	_ =	shalt  }
0x54: {  	_ =	shalt  }
0x55: {  	_ =	shalt  }
0x56: {  	_ =	shalt  }
0x57: {  	_ =	shalt  }
0x58: {  	_ =	shalt  }
0x59: {  	_ =	shalt  }
0x5a: {  	_ =	shalt  }
0x5b: {  	_ =	shalt  }
0x5c: {  	_ =	shalt  }
0x5d: {  	_ =	shalt  }
0x5e: {  	_ =	shalt  }
0x5f: {  	_ =	shalt  }
0x60: {  	_ =	shalt  }
0x61: {  	_ =	shalt  }
0x62: {  	_ =	shalt  }
0x63: {  	_ =	shalt  }
0x64: {  	_ =	shalt  }
0x65: {  	_ =	shalt  }
0x66: {  	_ =	shalt  }
0x67: {  	_ =	shalt  }
0x68: {  	_ =	shalt  }
0x69: {  	_ =	shalt  }
0x6a: {  	_ =	shalt  }
0x6b: {  	_ =	shalt  }
0x6c: {  	_ =	shalt  }
0x6d: {  	_ =	shalt  }
0x6e: {  	_ =	shalt  }
0x6f: {  	_ =	shalt  }
0x70: {  	_ =	shalt  }
0x71: {  	_ =	shalt  }
0x72: {  	_ =	shalt  }
0x73: {  	_ =	shalt  }
0x74: {  	_ =	shalt  }
0x75: {  	_ =	shalt  }
0x76: {  	_ =	shalt  }
0x77: {  	_ =	shalt  }
0x78: {  	_ =	shalt  }
0x79: {  	_ =	shalt  }
0x7a: {  	_ =	shalt  }
0x7b: {  	_ =	shalt  }
0x7c: {  	_ =	shalt  }
0x7d: {  	_ =	shalt  }
0x7e: {  	_ =	shalt  }
0x7f: {  	_ =	shalt  }
0x80: {  	_ =	shalt  }
0x81: {  	_ =	shalt  }
0x82: {  	_ =	shalt  }
0x83: {  	_ =	shalt  }
0x84: {  	_ =	shalt  }
0x85: {  	_ =	shalt  }
0x86: {  	_ =	shalt  }
0x87: {  	_ =	shalt  }
.Lfunc_end0:
.L_simem_size_0:
called_computation_lowered:
.L_overlay_start_0:
0x88: {  	s2 =	sld [smem:$0x3FD9]  }
0x89: {  	s3 =	sld [smem:$0x3FFE];
	_ =	sdelay $0x1  }
0x8a: {  	s1 =	srdreg.scid  }
0x8b: {  	s0 =	sand.u32 $0x1, s1  }
0x8c: {  	s29 =	sshll.u32 s0, $0xA;
	s2 =	sadd.s32 s3, s2  }
0x8d: {  	s2 =	sadd.s32 s2, s29  }
0x8e: {  	[smem:$0x3FC7] =	sst s2  }
0x8f: {  	_ = 	snop  }
0x90: {  	s3 =	sld [smem:$0x3FC9]  }
0x91: {  	s2 =	sld [smem:$0x3FD0];
	(tm) =	ssettm $0x1  }
0x92: {  	s4 =	sld [smem:$0x3FFB];
	_ =	sdelay $0x3  }
0x93: {  	_ =	strace s4  }
0x94: {  	s4 =	sld [smem:$0x3FFC];
	_ =	sdelay $0x3  }
0x95: {  	_ =	strace s4  }
0x96: {  	s4 =	sld [smem:$0x3FFD];
	_ =	sdelay $0x3  }
0x97: {  	_ =	strace s4  }
0x98: {  	s30 =	simm.s32 $0x1B8B;
	_ =	strace $0x8FFFFFFF  }
0x99: {  	p0 =	seq.s32 s0, $0x1;
	_ =	swait.ge [sflag:s30], $0x1  }
.Ltmp0:
0x9a: {  	[sflag:s30] =	ssyncset.done $0x0;
	(pc) =	sbr.rel @p0 .LBB1_4-.Ltmp0, $3  }
0x9b: {  	s31 =	simm.s32 $0x1B8E;
	[sflag:s30] =	ssyncadd.s32 $0xFFFFFFFF  }
0x9c: {  	[smem:$0x3FD2] =	sst s31  }
0x9d: {  	_ =	strace $0x80000046  }
0x9e: {  	s4 =	simm.s32 $0xA;
	s5 =	simm.s32 $0x10  }
0x9f: {  	[smem:s5], [sflag:s4] =	dma.local [hbm:s3], $0x10  }
0xa0: {  	_ =	swait.ge [sflag:s4], $0x10  }
0xa1: {  	[sflag:s4] =	ssyncset.done $0x0  }
0xa2: {  	s3 =	simm.s32 $0x0;
	[sflag:s4] =	ssyncadd.s32 $0xFFFFFFF0;
	s4 =	simm.s32 $0x4  }
.LBB1_2:
0xa3: {  	p0 =	sne.s32 s4, $0x7C;
	s5 =	sld [smem:s3+$0x10];
	_ =	sdelay $0x1  }
.Ltmp1:
0xa4: {  	(pc) =	sbr.rel @p0 .LBB1_2-.Ltmp1, $3  }
0xa5: {  	_ = 	snop  }
0xa6: {  	s5 =	sadd.s32 $0x1, s5  }
0xa7: {  	[smem:s3+$0x10] =	sst s5;
	s3 =	sshra.s32 s4, $0x2;
	s4 =	sadd.s32 $0x4, s4  }
0xa8: {  	s4 =	sld [smem:s3+$0x10];
	_ =	sdelay $0x3  }
0xa9: {  	s4 =	sadd.s32 $0x1, s4  }
0xaa: {  	s30 =	simm.s32 $0x10;
	s31 =	simm.s32 $0x9;
	[smem:s3+$0x10] =	sst s4  }
0xab: {  	[hbm:s2], [sflag:s31] =	dma.local [smem:s30], $0x10  }
0xac: {  	_ =	swait.ge [sflag:s31], $0x10  }
0xad: {  	[sflag:s31] =	ssyncset.done $0x0  }
0xae: {  	[sflag:s31] =	ssyncadd.s32 $0xFFFFFFF0  }
.LBB1_4:
0xaf: {  	_ =	strace $0x90000046  }
0xb0: {  	_ =	sfence  }
0xb1: {  	s2 =	sld [smem:$0x0];
	_ =	sdelay $0x2  }
0xb2: {  	s3 =	sshll.u32 s1, $0xD;
	s31 =	sshrl.u32 s1, $0x2  }
0xb3: {  	s3 =	sand.u32 $0x4000, s3;
	s1 =	sadd.s32 s31, s2  }
0xb4: {  	s0 =	sor.u32 s3, s0;
	s1 =	sshll.u32 s1, $0x11  }
0xb5: {  	s0 =	sor.u32 s1, s0  }
0xb6: {  	s0 =	sadd.s32 $0x8F2B, s0;
	(pc) =	sbr.abs _section_cstart, $3  }
0xb7: {  	[sflag:s0] =	ssyncadd.remote.s32 $0x1  }
0xb8: {  	_ =	strace $0x9FFFFFFF  }
0xb9: {  	(tm) =	ssettm $0x7FFFFFFF  }

</sc_bundles>
